<compile_context>
chip_gen: v7x
topology: tpu7x:2x2x1
jax: 0.10.2.dev20260603
libtpu: 0.0.44.dev20260713+nightly
codegen_flags: <defaults>
</compile_context>

<pallas_src>
import functools

import jax
import jax.numpy as jnp
from jax import lax
from jax.experimental import pallas as pl
from jax.experimental.pallas import tpu as pltpu
from jax.experimental.pallas import tpu_sc as plsc

N_NODES = 10000
D = 128
E = 320000

NC = 2
NS = 16
NW = NC * NS
L = 16

CHUNK = 40
EDGES_PER_TILE = E // NW
NCHUNK = EDGES_PER_TILE // CHUNK
NPAD = 10112
ROWS_PER_TILE = NPAD // NS


def _sc_accumulate(src_hbm, dst_hbm, x_hbm, zf_hbm,
                   partial_hbm, cntw_hbm,
                   src_v, dst_v, rows_v, cnt_v, acc_sh, sem_a, sem_b):
    c = lax.axis_index("c")
    s = lax.axis_index("s")
    wid = s * NC + c
    row0 = s * ROWS_PER_TILE

    pltpu.sync_copy(zf_hbm, acc_sh.at[pl.ds(row0, ROWS_PER_TILE)])
    pltpu.sync_copy(src_hbm.at[wid], src_v)
    pltpu.sync_copy(dst_hbm.at[wid], dst_v)

    zv = jnp.zeros((L,), jnp.float32)

    def zbody(k, carry):
        cnt_v[pl.ds(k * L, L)] = zv
        return carry

    lax.fori_loop(0, NPAD // L, zbody, 0)

    ones_v = jnp.ones((L,), jnp.float32)

    def cbody(k, carry):
        dv = dst_v[pl.ds(k * L, L)]
        plsc.addupdate_scatter(cnt_v, [dv], ones_v)
        return carry

    lax.fori_loop(0, EDGES_PER_TILE // L, cbody, 0)
    plsc.subcore_barrier()

    def gather(j, slot, sem):
        return pltpu.async_copy(
            x_hbm.at[src_v.at[pl.ds(j * CHUNK, CHUNK)]], rows_v.at[slot], sem)

    gather(0, 0, sem_a)

    def body(j, carry):
        even = (j % 2) == 0

        def step(slot_cur, slot_nxt, sem_cur, sem_nxt):
            pltpu.make_async_copy(
                x_hbm.at[src_v.at[pl.ds(j * CHUNK, CHUNK)]],
                rows_v.at[slot_cur], sem_cur).wait()

            @pl.when(j + 1 < NCHUNK)
            def _():
                gather(j + 1, slot_nxt, sem_nxt)

            pltpu.sync_copy(rows_v.at[slot_cur],
                            acc_sh.at[dst_v.at[pl.ds(j * CHUNK, CHUNK)]],
                            add=True)

        @pl.when(even)
        def _():
            step(0, 1, sem_a, sem_b)

        @pl.when(jnp.logical_not(even))
        def _():
            step(1, 0, sem_b, sem_a)

        return carry

    lax.fori_loop(0, NCHUNK, body, 0)
    plsc.subcore_barrier()

    pltpu.sync_copy(acc_sh.at[pl.ds(row0, ROWS_PER_TILE)],
                    partial_hbm.at[c, pl.ds(row0, ROWS_PER_TILE)])
    pltpu.sync_copy(cnt_v, cntw_hbm.at[wid])


def _combine_body(p_ref, c_ref, o_ref):
    p = p_ref[0] + p_ref[1]
    cnt = jnp.sum(c_ref[...], axis=0)
    o_ref[...] = p * (1.0 / jnp.maximum(cnt, 1.0))[:, None]


def kernel(x, edge_index):
    x = x.astype(jnp.float32)
    ei = edge_index.astype(jnp.int32)
    src = ei[0].reshape(NW, EDGES_PER_TILE)
    dst = ei[1].reshape(NW, EDGES_PER_TILE)

    zf = jnp.zeros((ROWS_PER_TILE, D), jnp.float32)

    mesh = plsc.VectorSubcoreMesh(core_axis_name="c", subcore_axis_name="s")
    sc_fn = functools.partial(
        pl.kernel,
        mesh=mesh,
        compiler_params=pltpu.CompilerParams(needs_layout_passes=False),
        out_type=[
            jax.ShapeDtypeStruct((NC, NPAD, D), jnp.float32),
            jax.ShapeDtypeStruct((NW, NPAD), jnp.float32),
        ],
        scratch_types=[
            pltpu.VMEM((EDGES_PER_TILE,), jnp.int32),
            pltpu.VMEM((EDGES_PER_TILE,), jnp.int32),
            pltpu.VMEM((2, CHUNK, D), jnp.float32),
            pltpu.VMEM((NPAD,), jnp.float32),
            pltpu.VMEM_SHARED((NPAD, D), jnp.float32),
            pltpu.SemaphoreType.DMA,
            pltpu.SemaphoreType.DMA,
        ],
    )(_sc_accumulate)
    partial, cntw = sc_fn(src, dst, x, zf)

    h = pl.pallas_call(
        _combine_body,
        out_shape=jax.ShapeDtypeStruct((NPAD, D), jnp.float32),
    )(partial, cntw)
    return h[:N_NODES]

# --- scband reference (transcript-rebuilt; emitter-appended) ---
"""Pipeline reference for scband-gcmclayer-32341103739248 (READ-ONLY COPY).

The authoritative reference and input builder live on the scoring server;
editing this copy changes nothing except your own understanding.
"""

import jax, jax.numpy as jnp
import numpy as np

N_NODES = 10000
N_EDGES = 320000
D_FEAT = 128


def setup_inputs(seed: int = 0) -> dict:
    key = jax.random.key(seed)
    k1, k2 = jax.random.split(key)
    x = jax.random.normal(k1, (N_NODES, D_FEAT), dtype=jnp.float32)
    edge_index = jax.random.randint(k2, (2, N_EDGES), 0, N_NODES, dtype=jnp.int64)
    return {"x": x, "edge_index": edge_index}


def reference(x, edge_index):
    # GCMCLayer.forward: copy_u('h','m') then mean('m','h') over edges,
    # followed by dropout (identity in eval/reference mode).
    # Note: self.linear and self.activation are defined but unused in forward.
    src = edge_index[0]
    dst = edge_index[1]
    # message: gather source node features along edges
    m = jnp.take(x, src, axis=0)  # [E, d]
    # mean aggregation at destination nodes: scatter-add + count-divide
    summed = jax.ops.segment_sum(m, dst, num_segments=N_NODES)  # [N, d]
    counts = jax.ops.segment_sum(jnp.ones((m.shape[0],), dtype=x.dtype), dst, num_segments=N_NODES)  # [N]
    h = summed / jnp.maximum(counts, 1.0)[:, None]
    # dropout is identity at inference (deterministic reference)
    return h

if __name__ == "__main__":
    import jax
    _d = setup_inputs()
    print(jax.jit(kernel)(*tuple(_d.values())))

</pallas_src>

<mosaic_0001>
#map = affine_map<(d0, d1) -> (0, 0)>
#map1 = affine_map<(d0, d1) -> (0, 0, 0)>
module attributes {stable_mosaic.version = 14 : i64} {
  func.func @_sc_accumulate(%arg0: i32, %arg1: i32, %arg2: memref<32x10000xi32, #tpu.memory_space<hbm>>, %arg3: memref<32x10000xi32, #tpu.memory_space<hbm>>, %arg4: memref<10000x128xf32, #tpu.memory_space<hbm>>, %arg5: memref<632x128xf32, #tpu.memory_space<hbm>>, %arg6: memref<2x10112x128xf32, #tpu.memory_space<hbm>>, %arg7: memref<32x10112xf32, #tpu.memory_space<hbm>>, %arg8: memref<10000xi32, #tpu.memory_space<vmem>>, %arg9: memref<10000xi32, #tpu.memory_space<vmem>>, %arg10: memref<2x40x128xf32, #tpu.memory_space<vmem>>, %arg11: memref<10112xf32, #tpu.memory_space<vmem>>, %arg12: memref<10112x128xf32, #tpu.memory_space<vmem_shared>>, %arg13: memref<!tpu.dma_semaphore, #tpu.memory_space<semaphore_mem>>, %arg14: memref<!tpu.dma_semaphore, #tpu.memory_space<semaphore_mem>>) attributes {dimension_semantics = [#tpu.dimension_semantics<core_parallel>, #tpu.dimension_semantics<subcore_parallel>], iteration_bounds = array<i64: 2, 16>, scalar_prefetch = 0 : i64, scratch_operands = 7 : i64, tpu.core_type = #tpu.core_type<sc_vector_subcore>, window_params = [{transform_indices = #map}, {transform_indices = #map}, {transform_indices = #map}, {transform_indices = #map}, {transform_indices = #map1}, {transform_indices = #map}]} {
    %mul3A = arith.constant 2 : i32
    %mul3A_0 = arith.muli %arg1, %mul3A : i32
    %add3A = arith.addi %mul3A_0, %arg0 : i32
    %mul3A_1 = arith.constant 632 : i32
    %mul3A_2 = arith.muli %arg1, %mul3A_1 : i32
    "tpu.region"() ({
      %run_scoped3A = tpu.sem_alloc : memref<!tpu.dma_semaphore, #tpu.memory_space<semaphore_mem>>
      %dma_start3A_33 = arith.constant 0 : i32
      %dma_start3A_34 = tpu.memref_slice %arg12[%mul3A_2, %dma_start3A_33] : memref<10112x128xf32, #tpu.memory_space<vmem_shared>> -> memref<632x128xf32, #tpu.memory_space<vmem_shared>>
      tpu.enqueue_dma source(%arg5 : memref<632x128xf32, #tpu.memory_space<hbm>>) target(%dma_start3A_34 : memref<632x128xf32, #tpu.memory_space<vmem_shared>>) target_semaphore(%run_scoped3A : memref<!tpu.dma_semaphore, #tpu.memory_space<semaphore_mem>>)
      %dma_wait3A = arith.constant 0 : i32
      %dma_wait3A_35 = tpu.memref_slice %arg12[%mul3A_2, %dma_wait3A] : memref<10112x128xf32, #tpu.memory_space<vmem_shared>> -> memref<632x128xf32, #tpu.memory_space<vmem_shared>>
      tpu.wait_dma2 semaphore(%run_scoped3A : memref<!tpu.dma_semaphore, #tpu.memory_space<semaphore_mem>>) src(%arg5 : memref<632x128xf32, #tpu.memory_space<hbm>>) dst(%dma_wait3A_35 : memref<632x128xf32, #tpu.memory_space<vmem_shared>>)
      tpu.yield
    }) : () -> ()
    "tpu.region"() ({
      %run_scoped3A = tpu.sem_alloc : memref<!tpu.dma_semaphore, #tpu.memory_space<semaphore_mem>>
      %dma_start3A_33 = arith.constant 0 : i32
      %dma_start3A_34 = tpu.memref_slice %arg2[%add3A, %dma_start3A_33] : memref<32x10000xi32, #tpu.memory_space<hbm>> -> memref<1x10000xi32, #tpu.memory_space<hbm>>
      %dma_start3A_35 = tpu.memref_squeeze %dma_start3A_34 : memref<1x10000xi32, #tpu.memory_space<hbm>> -> memref<10000xi32, #tpu.memory_space<hbm>>
      %dma_start3A_36 = arith.constant 0 : i32
      %dma_start3A_37 = tpu.memref_slice %arg2[%add3A, %dma_start3A_36] : memref<32x10000xi32, #tpu.memory_space<hbm>> -> memref<1x10000xi32, #tpu.memory_space<hbm>>
      %dma_start3A_38 = tpu.memref_squeeze %dma_start3A_37 : memref<1x10000xi32, #tpu.memory_space<hbm>> -> memref<10000xi32, #tpu.memory_space<hbm>>
      tpu.enqueue_dma source(%dma_start3A_38 : memref<10000xi32, #tpu.memory_space<hbm>>) target(%arg8 : memref<10000xi32, #tpu.memory_space<vmem>>) target_semaphore(%run_scoped3A : memref<!tpu.dma_semaphore, #tpu.memory_space<semaphore_mem>>)
      %dma_wait3A = arith.constant 0 : i32
      %dma_wait3A_39 = tpu.memref_slice %arg2[%add3A, %dma_wait3A] : memref<32x10000xi32, #tpu.memory_space<hbm>> -> memref<1x10000xi32, #tpu.memory_space<hbm>>
      %dma_wait3A_40 = tpu.memref_squeeze %dma_wait3A_39 : memref<1x10000xi32, #tpu.memory_space<hbm>> -> memref<10000xi32, #tpu.memory_space<hbm>>
      %dma_wait3A_41 = arith.constant 0 : i32
      %dma_wait3A_42 = tpu.memref_slice %arg2[%add3A, %dma_wait3A_41] : memref<32x10000xi32, #tpu.memory_space<hbm>> -> memref<1x10000xi32, #tpu.memory_space<hbm>>
      %dma_wait3A_43 = tpu.memref_squeeze %dma_wait3A_42 : memref<1x10000xi32, #tpu.memory_space<hbm>> -> memref<10000xi32, #tpu.memory_space<hbm>>
      tpu.wait_dma2 semaphore(%run_scoped3A : memref<!tpu.dma_semaphore, #tpu.memory_space<semaphore_mem>>) src(%dma_wait3A_43 : memref<10000xi32, #tpu.memory_space<hbm>>) dst(%arg8 : memref<10000xi32, #tpu.memory_space<vmem>>)
      tpu.yield
    }) : () -> ()
    "tpu.region"() ({
      %run_scoped3A = tpu.sem_alloc : memref<!tpu.dma_semaphore, #tpu.memory_space<semaphore_mem>>
      %dma_start3A_33 = arith.constant 0 : i32
      %dma_start3A_34 = tpu.memref_slice %arg3[%add3A, %dma_start3A_33] : memref<32x10000xi32, #tpu.memory_space<hbm>> -> memref<1x10000xi32, #tpu.memory_space<hbm>>
      %dma_start3A_35 = tpu.memref_squeeze %dma_start3A_34 : memref<1x10000xi32, #tpu.memory_space<hbm>> -> memref<10000xi32, #tpu.memory_space<hbm>>
      %dma_start3A_36 = arith.constant 0 : i32
      %dma_start3A_37 = tpu.memref_slice %arg3[%add3A, %dma_start3A_36] : memref<32x10000xi32, #tpu.memory_space<hbm>> -> memref<1x10000xi32, #tpu.memory_space<hbm>>
      %dma_start3A_38 = tpu.memref_squeeze %dma_start3A_37 : memref<1x10000xi32, #tpu.memory_space<hbm>> -> memref<10000xi32, #tpu.memory_space<hbm>>
      tpu.enqueue_dma source(%dma_start3A_38 : memref<10000xi32, #tpu.memory_space<hbm>>) target(%arg9 : memref<10000xi32, #tpu.memory_space<vmem>>) target_semaphore(%run_scoped3A : memref<!tpu.dma_semaphore, #tpu.memory_space<semaphore_mem>>)
      %dma_wait3A = arith.constant 0 : i32
      %dma_wait3A_39 = tpu.memref_slice %arg3[%add3A, %dma_wait3A] : memref<32x10000xi32, #tpu.memory_space<hbm>> -> memref<1x10000xi32, #tpu.memory_space<hbm>>
      %dma_wait3A_40 = tpu.memref_squeeze %dma_wait3A_39 : memref<1x10000xi32, #tpu.memory_space<hbm>> -> memref<10000xi32, #tpu.memory_space<hbm>>
      %dma_wait3A_41 = arith.constant 0 : i32
      %dma_wait3A_42 = tpu.memref_slice %arg3[%add3A, %dma_wait3A_41] : memref<32x10000xi32, #tpu.memory_space<hbm>> -> memref<1x10000xi32, #tpu.memory_space<hbm>>
      %dma_wait3A_43 = tpu.memref_squeeze %dma_wait3A_42 : memref<1x10000xi32, #tpu.memory_space<hbm>> -> memref<10000xi32, #tpu.memory_space<hbm>>
      tpu.wait_dma2 semaphore(%run_scoped3A : memref<!tpu.dma_semaphore, #tpu.memory_space<semaphore_mem>>) src(%dma_wait3A_43 : memref<10000xi32, #tpu.memory_space<hbm>>) dst(%arg9 : memref<10000xi32, #tpu.memory_space<vmem>>)
      tpu.yield
    }) : () -> ()
    %broadcast_in_dim3A = arith.constant 0.000000e+00 : f32
    %broadcast_in_dim3A_3 = vector.broadcast %broadcast_in_dim3A : f32 to vector<16xf32>
    %scan3A = arith.constant 0 : i32
    %scan3A_4 = arith.constant 0 : i32
    %scan3A_5 = arith.constant 632 : i32
    %scan3A_6 = arith.addi %scan3A_4, %scan3A_5 : i32
    %scan3A_7 = arith.constant 1 : i32
    scf.for %scan3A_33 = %scan3A_4 to %scan3A_6 step %scan3A_7  : i32 {
      %mul3A_34 = arith.constant 16 : i32
      %mul3A_35 = arith.muli %scan3A_33, %mul3A_34 : i32
      %swap3A = arith.index_cast %mul3A_35 : i32 to index
      %swap3A_36 = tpu.vector_load %arg11[%swap3A] {strides = array<i32>} : memref<10112xf32, #tpu.memory_space<vmem>>, vector<16xf32>,
      tpu.vector_store %arg11[%swap3A], %broadcast_in_dim3A_3 {strides = array<i32>} : memref<10112xf32, #tpu.memory_space<vmem>>, vector<16xf32>,
    }
    %scan3A_8 = arith.constant 632 : i32
    %broadcast_in_dim3A_9 = arith.constant 1.000000e+00 : f32
    %broadcast_in_dim3A_10 = vector.broadcast %broadcast_in_dim3A_9 : f32 to vector<16xf32>
    %scan3A_11 = arith.constant 0 : i32
    %scan3A_12 = arith.constant 0 : i32
    %scan3A_13 = arith.constant 625 : i32
    %scan3A_14 = arith.addi %scan3A_12, %scan3A_13 : i32
    %scan3A_15 = arith.constant 1 : i32
    scf.for %scan3A_33 = %scan3A_12 to %scan3A_14 step %scan3A_15  : i32 {
      %mul3A_34 = arith.constant 16 : i32
      %mul3A_35 = arith.muli %scan3A_33, %mul3A_34 : i32
      %get3A = arith.index_cast %mul3A_35 : i32 to index
      %get3A_36 = tpu.vector_load %arg9[%get3A] {strides = array<i32>} : memref<10000xi32, #tpu.memory_space<vmem>>, vector<16xi32>,
      tpu.vector_store_idx %arg11[%get3A_36], %broadcast_in_dim3A_10 {add = true} : memref<10112xf32, #tpu.memory_space<vmem>>[vector<16xi32>], vector<16xf32>,
    }
    %scan3A_16 = arith.constant 625 : i32
    %barrier3A = arith.constant 0 : index
    tpu.barrier barrier_id(%barrier3A)
    %dma_start3A = arith.constant 0 : i32
    %dma_start3A_17 = arith.constant 0 : i32
    %dma_start3A_18 = arith.constant 0 : i32
    %dma_start3A_19 = tpu.memref_slice %arg10[%dma_start3A, %dma_start3A_17, %dma_start3A_18] : memref<2x40x128xf32, #tpu.memory_space<vmem>> -> memref<1x40x128xf32, #tpu.memory_space<vmem>>
    %dma_start3A_20 = tpu.memref_squeeze %dma_start3A_19 : memref<1x40x128xf32, #tpu.memory_space<vmem>> -> memref<40x128xf32, #tpu.memory_space<vmem>>
    %dma_start3A_21 = arith.constant 0 : i32
    %dma_start3A_22 = tpu.memref_slice %arg8[%dma_start3A_21] : memref<10000xi32, #tpu.memory_space<vmem>> -> memref<40xi32, #tpu.memory_space<vmem>>
    %dma_start3A_23 = arith.constant 0 : i32
    %dma_start3A_24 = arith.constant 0 : i32
    %dma_start3A_25 = tpu.memref_slice %arg4[%dma_start3A_23, %dma_start3A_24] : memref<10000x128xf32, #tpu.memory_space<hbm>> -> memref<10000x128xf32, #tpu.memory_space<hbm>>
    tpu.enqueue_indirect_dma source(%dma_start3A_25 : memref<10000x128xf32, #tpu.memory_space<hbm>>) target(%dma_start3A_20 : memref<40x128xf32, #tpu.memory_space<vmem>>) offsets(%dma_start3A_22 : memref<40xi32, #tpu.memory_space<vmem>>) semaphore(%arg13 : memref<!tpu.dma_semaphore, #tpu.memory_space<semaphore_mem>>)
    %scan3A_26 = arith.constant 0 : i32
    %scan3A_27 = arith.constant 0 : i32
    %scan3A_28 = arith.constant 250 : i32
    %scan3A_29 = arith.addi %scan3A_27, %scan3A_28 : i32
    %scan3A_30 = arith.constant 1 : i32
    scf.for %scan3A_33 = %scan3A_27 to %scan3A_29 step %scan3A_30  : i32 {
      %jit3A = arith.constant 2 : i32
      %eq3A = arith.constant 0 : i32
      %eq3A_34 = arith.cmpi eq, %jit3A, %eq3A : i32
      %jit3A_35 = arith.constant 1 : i32
      %select_n3A = arith.select %eq3A_34, %jit3A_35, %jit3A : i32
      %rem3A = arith.remsi %scan3A_33, %select_n3A : i32
      %ne3A = arith.constant 0 : i32
      %ne3A_36 = arith.cmpi ne, %rem3A, %ne3A : i32
      %lt3A = arith.constant 0 : i32
      %lt3A_37 = arith.cmpi slt, %rem3A, %lt3A : i32
      %lt3A_38 = arith.constant 0 : i32
      %lt3A_39 = arith.cmpi slt, %select_n3A, %lt3A_38 : i32
      %ne3A_40 = arith.xori %lt3A_37, %lt3A_39 : i1
      %and3A = arith.andi %ne3A_40, %ne3A_36 : i1
      %add3A_41 = arith.addi %rem3A, %select_n3A : i32
      %select_n3A_42 = arith.select %and3A, %add3A_41, %rem3A : i32
      %eq3A_43 = arith.constant 0 : i32
      %eq3A_44 = arith.cmpi eq, %select_n3A_42, %eq3A_43 : i32
      %convert_element_type3A = arith.extui %eq3A_44 : i1 to i32
      %cond3A = arith.constant 0 : i32
      %cond3A_45 = arith.cmpi ne, %convert_element_type3A, %cond3A : i32
      scf.if %cond3A_45 {
        %mul3A_50 = arith.constant 40 : i32
        %mul3A_51 = arith.muli %scan3A_33, %mul3A_50 : i32
        %dma_wait3A = arith.constant 0 : i32
        %dma_wait3A_52 = arith.constant 0 : i32
        %dma_wait3A_53 = arith.constant 0 : i32
        %dma_wait3A_54 = tpu.memref_slice %arg10[%dma_wait3A, %dma_wait3A_52, %dma_wait3A_53] : memref<2x40x128xf32, #tpu.memory_space<vmem>> -> memref<1x40x128xf32, #tpu.memory_space<vmem>>
        %dma_wait3A_55 = tpu.memref_squeeze %dma_wait3A_54 : memref<1x40x128xf32, #tpu.memory_space<vmem>> -> memref<40x128xf32, #tpu.memory_space<vmem>>
        %dma_wait3A_56 = tpu.memref_slice %arg8[%mul3A_51] : memref<10000xi32, #tpu.memory_space<vmem>> -> memref<40xi32, #tpu.memory_space<vmem>>
        %dma_wait3A_57 = arith.constant 0 : i32
        %dma_wait3A_58 = arith.constant 0 : i32
        %dma_wait3A_59 = tpu.memref_slice %arg4[%dma_wait3A_57, %dma_wait3A_58] : memref<10000x128xf32, #tpu.memory_space<hbm>> -> memref<10000x128xf32, #tpu.memory_space<hbm>>
        tpu.wait_indirect_dma semaphore(%arg13 : memref<!tpu.dma_semaphore, #tpu.memory_space<semaphore_mem>>) src(%dma_wait3A_59 : memref<10000x128xf32, #tpu.memory_space<hbm>>) dst(%dma_wait3A_55 : memref<40x128xf32, #tpu.memory_space<vmem>>)
        %add3A_60 = arith.constant 1 : i32
        %add3A_61 = arith.addi %scan3A_33, %add3A_60 : i32
        %lt3A_62 = arith.constant 250 : i32
        %lt3A_63 = arith.cmpi slt, %add3A_61, %lt3A_62 : i32
        %convert_element_type3A_64 = arith.extui %lt3A_63 : i1 to i32
        %cond3A_65 = arith.constant 0 : i32
        %cond3A_66 = arith.cmpi ne, %convert_element_type3A_64, %cond3A_65 : i32
        scf.if %cond3A_66 {
          %add3A_69 = arith.constant 1 : i32
          %add3A_70 = arith.addi %scan3A_33, %add3A_69 : i32
          %mul3A_71 = arith.constant 40 : i32
          %mul3A_72 = arith.muli %add3A_70, %mul3A_71 : i32
          %dma_start3A_73 = arith.constant 1 : i32
          %dma_start3A_74 = arith.constant 0 : i32
          %dma_start3A_75 = arith.constant 0 : i32
          %dma_start3A_76 = tpu.memref_slice %arg10[%dma_start3A_73, %dma_start3A_74, %dma_start3A_75] : memref<2x40x128xf32, #tpu.memory_space<vmem>> -> memref<1x40x128xf32, #tpu.memory_space<vmem>>
          %dma_start3A_77 = tpu.memref_squeeze %dma_start3A_76 : memref<1x40x128xf32, #tpu.memory_space<vmem>> -> memref<40x128xf32, #tpu.memory_space<vmem>>
          %dma_start3A_78 = tpu.memref_slice %arg8[%mul3A_72] : memref<10000xi32, #tpu.memory_space<vmem>> -> memref<40xi32, #tpu.memory_space<vmem>>
          %dma_start3A_79 = arith.constant 0 : i32
          %dma_start3A_80 = arith.constant 0 : i32
          %dma_start3A_81 = tpu.memref_slice %arg4[%dma_start3A_79, %dma_start3A_80] : memref<10000x128xf32, #tpu.memory_space<hbm>> -> memref<10000x128xf32, #tpu.memory_space<hbm>>
          tpu.enqueue_indirect_dma source(%dma_start3A_81 : memref<10000x128xf32, #tpu.memory_space<hbm>>) target(%dma_start3A_77 : memref<40x128xf32, #tpu.memory_space<vmem>>) offsets(%dma_start3A_78 : memref<40xi32, #tpu.memory_space<vmem>>) semaphore(%arg14 : memref<!tpu.dma_semaphore, #tpu.memory_space<semaphore_mem>>)
        } else {
        }
        %mul3A_67 = arith.constant 40 : i32
        %mul3A_68 = arith.muli %scan3A_33, %mul3A_67 : i32
        %run_scoped3A = arith.constant 0 : i32
        "tpu.region"() ({
          %run_scoped3A_69 = tpu.sem_alloc : memref<!tpu.dma_semaphore, #tpu.memory_space<semaphore_mem>>
          %dma_start3A_70 = arith.constant 0 : i32
          %dma_start3A_71 = arith.constant 0 : i32
          %dma_start3A_72 = tpu.memref_slice %arg10[%run_scoped3A, %dma_start3A_70, %dma_start3A_71] : memref<2x40x128xf32, #tpu.memory_space<vmem>> -> memref<1x40x128xf32, #tpu.memory_space<vmem>>
          %dma_start3A_73 = tpu.memref_squeeze %dma_start3A_72 : memref<1x40x128xf32, #tpu.memory_space<vmem>> -> memref<40x128xf32, #tpu.memory_space<vmem>>
          %dma_start3A_74 = tpu.memref_slice %arg9[%mul3A_68] : memref<10000xi32, #tpu.memory_space<vmem>> -> memref<40xi32, #tpu.memory_space<vmem>>
          %dma_start3A_75 = arith.constant 0 : i32
          %dma_start3A_76 = arith.constant 0 : i32
          %dma_start3A_77 = tpu.memref_slice %arg12[%dma_start3A_75, %dma_start3A_76] : memref<10112x128xf32, #tpu.memory_space<vmem_shared>> -> memref<10112x128xf32, #tpu.memory_space<vmem_shared>>
          tpu.enqueue_indirect_dma source(%dma_start3A_73 : memref<40x128xf32, #tpu.memory_space<vmem>>) target(%dma_start3A_77 : memref<10112x128xf32, #tpu.memory_space<vmem_shared>>) offsets(%dma_start3A_74 : memref<40xi32, #tpu.memory_space<vmem>>) semaphore(%run_scoped3A_69 : memref<!tpu.dma_semaphore, #tpu.memory_space<semaphore_mem>>) {add = true}
          %dma_wait3A_78 = arith.constant 0 : i32
          %dma_wait3A_79 = arith.constant 0 : i32
          %dma_wait3A_80 = tpu.memref_slice %arg10[%run_scoped3A, %dma_wait3A_78, %dma_wait3A_79] : memref<2x40x128xf32, #tpu.memory_space<vmem>> -> memref<1x40x128xf32, #tpu.memory_space<vmem>>
          %dma_wait3A_81 = tpu.memref_squeeze %dma_wait3A_80 : memref<1x40x128xf32, #tpu.memory_space<vmem>> -> memref<40x128xf32, #tpu.memory_space<vmem>>
          %dma_wait3A_82 = tpu.memref_slice %arg9[%mul3A_68] : memref<10000xi32, #tpu.memory_space<vmem>> -> memref<40xi32, #tpu.memory_space<vmem>>
          %dma_wait3A_83 = arith.constant 0 : i32
          %dma_wait3A_84 = arith.constant 0 : i32
          %dma_wait3A_85 = tpu.memref_slice %arg12[%dma_wait3A_83, %dma_wait3A_84] : memref<10112x128xf32, #tpu.memory_space<vmem_shared>> -> memref<10112x128xf32, #tpu.memory_space<vmem_shared>>
          tpu.wait_indirect_dma semaphore(%run_scoped3A_69 : memref<!tpu.dma_semaphore, #tpu.memory_space<semaphore_mem>>) src(%dma_wait3A_81 : memref<40x128xf32, #tpu.memory_space<vmem>>) dst(%dma_wait3A_85 : memref<10112x128xf32, #tpu.memory_space<vmem_shared>>)
          tpu.yield
        }) : () -> ()
      } else {
      }
      %not3A = arith.constant true
      %not3A_46 = arith.xori %eq3A_44, %not3A : i1
      %convert_element_type3A_47 = arith.extui %not3A_46 : i1 to i32
      %cond3A_48 = arith.constant 0 : i32
      %cond3A_49 = arith.cmpi ne, %convert_element_type3A_47, %cond3A_48 : i32
      scf.if %cond3A_49 {
        %mul3A_50 = arith.constant 40 : i32
        %mul3A_51 = arith.muli %scan3A_33, %mul3A_50 : i32
        %dma_wait3A = arith.constant 1 : i32
        %dma_wait3A_52 = arith.constant 0 : i32
        %dma_wait3A_53 = arith.constant 0 : i32
        %dma_wait3A_54 = tpu.memref_slice %arg10[%dma_wait3A, %dma_wait3A_52, %dma_wait3A_53] : memref<2x40x128xf32, #tpu.memory_space<vmem>> -> memref<1x40x128xf32, #tpu.memory_space<vmem>>
        %dma_wait3A_55 = tpu.memref_squeeze %dma_wait3A_54 : memref<1x40x128xf32, #tpu.memory_space<vmem>> -> memref<40x128xf32, #tpu.memory_space<vmem>>
        %dma_wait3A_56 = tpu.memref_slice %arg8[%mul3A_51] : memref<10000xi32, #tpu.memory_space<vmem>> -> memref<40xi32, #tpu.memory_space<vmem>>
        %dma_wait3A_57 = arith.constant 0 : i32
        %dma_wait3A_58 = arith.constant 0 : i32
        %dma_wait3A_59 = tpu.memref_slice %arg4[%dma_wait3A_57, %dma_wait3A_58] : memref<10000x128xf32, #tpu.memory_space<hbm>> -> memref<10000x128xf32, #tpu.memory_space<hbm>>
        tpu.wait_indirect_dma semaphore(%arg14 : memref<!tpu.dma_semaphore, #tpu.memory_space<semaphore_mem>>) src(%dma_wait3A_59 : memref<10000x128xf32, #tpu.memory_space<hbm>>) dst(%dma_wait3A_55 : memref<40x128xf32, #tpu.memory_space<vmem>>)
        %add3A_60 = arith.constant 1 : i32
        %add3A_61 = arith.addi %scan3A_33, %add3A_60 : i32
        %lt3A_62 = arith.constant 250 : i32
        %lt3A_63 = arith.cmpi slt, %add3A_61, %lt3A_62 : i32
        %convert_element_type3A_64 = arith.extui %lt3A_63 : i1 to i32
        %cond3A_65 = arith.constant 0 : i32
        %cond3A_66 = arith.cmpi ne, %convert_element_type3A_64, %cond3A_65 : i32
        scf.if %cond3A_66 {
          %add3A_69 = arith.constant 1 : i32
          %add3A_70 = arith.addi %scan3A_33, %add3A_69 : i32
          %mul3A_71 = arith.constant 40 : i32
          %mul3A_72 = arith.muli %add3A_70, %mul3A_71 : i32
          %dma_start3A_73 = arith.constant 0 : i32
          %dma_start3A_74 = arith.constant 0 : i32
          %dma_start3A_75 = arith.constant 0 : i32
          %dma_start3A_76 = tpu.memref_slice %arg10[%dma_start3A_73, %dma_start3A_74, %dma_start3A_75] : memref<2x40x128xf32, #tpu.memory_space<vmem>> -> memref<1x40x128xf32, #tpu.memory_space<vmem>>
          %dma_start3A_77 = tpu.memref_squeeze %dma_start3A_76 : memref<1x40x128xf32, #tpu.memory_space<vmem>> -> memref<40x128xf32, #tpu.memory_space<vmem>>
          %dma_start3A_78 = tpu.memref_slice %arg8[%mul3A_72] : memref<10000xi32, #tpu.memory_space<vmem>> -> memref<40xi32, #tpu.memory_space<vmem>>
          %dma_start3A_79 = arith.constant 0 : i32
          %dma_start3A_80 = arith.constant 0 : i32
          %dma_start3A_81 = tpu.memref_slice %arg4[%dma_start3A_79, %dma_start3A_80] : memref<10000x128xf32, #tpu.memory_space<hbm>> -> memref<10000x128xf32, #tpu.memory_space<hbm>>
          tpu.enqueue_indirect_dma source(%dma_start3A_81 : memref<10000x128xf32, #tpu.memory_space<hbm>>) target(%dma_start3A_77 : memref<40x128xf32, #tpu.memory_space<vmem>>) offsets(%dma_start3A_78 : memref<40xi32, #tpu.memory_space<vmem>>) semaphore(%arg13 : memref<!tpu.dma_semaphore, #tpu.memory_space<semaphore_mem>>)
        } else {
        }
        %mul3A_67 = arith.constant 40 : i32
        %mul3A_68 = arith.muli %scan3A_33, %mul3A_67 : i32
        %run_scoped3A = arith.constant 1 : i32
        "tpu.region"() ({
          %run_scoped3A_69 = tpu.sem_alloc : memref<!tpu.dma_semaphore, #tpu.memory_space<semaphore_mem>>
          %dma_start3A_70 = arith.constant 0 : i32
          %dma_start3A_71 = arith.constant 0 : i32
          %dma_start3A_72 = tpu.memref_slice %arg10[%run_scoped3A, %dma_start3A_70, %dma_start3A_71] : memref<2x40x128xf32, #tpu.memory_space<vmem>> -> memref<1x40x128xf32, #tpu.memory_space<vmem>>
          %dma_start3A_73 = tpu.memref_squeeze %dma_start3A_72 : memref<1x40x128xf32, #tpu.memory_space<vmem>> -> memref<40x128xf32, #tpu.memory_space<vmem>>
          %dma_start3A_74 = tpu.memref_slice %arg9[%mul3A_68] : memref<10000xi32, #tpu.memory_space<vmem>> -> memref<40xi32, #tpu.memory_space<vmem>>
          %dma_start3A_75 = arith.constant 0 : i32
          %dma_start3A_76 = arith.constant 0 : i32
          %dma_start3A_77 = tpu.memref_slice %arg12[%dma_start3A_75, %dma_start3A_76] : memref<10112x128xf32, #tpu.memory_space<vmem_shared>> -> memref<10112x128xf32, #tpu.memory_space<vmem_shared>>
          tpu.enqueue_indirect_dma source(%dma_start3A_73 : memref<40x128xf32, #tpu.memory_space<vmem>>) target(%dma_start3A_77 : memref<10112x128xf32, #tpu.memory_space<vmem_shared>>) offsets(%dma_start3A_74 : memref<40xi32, #tpu.memory_space<vmem>>) semaphore(%run_scoped3A_69 : memref<!tpu.dma_semaphore, #tpu.memory_space<semaphore_mem>>) {add = true}
          %dma_wait3A_78 = arith.constant 0 : i32
          %dma_wait3A_79 = arith.constant 0 : i32
          %dma_wait3A_80 = tpu.memref_slice %arg10[%run_scoped3A, %dma_wait3A_78, %dma_wait3A_79] : memref<2x40x128xf32, #tpu.memory_space<vmem>> -> memref<1x40x128xf32, #tpu.memory_space<vmem>>
          %dma_wait3A_81 = tpu.memref_squeeze %dma_wait3A_80 : memref<1x40x128xf32, #tpu.memory_space<vmem>> -> memref<40x128xf32, #tpu.memory_space<vmem>>
          %dma_wait3A_82 = tpu.memref_slice %arg9[%mul3A_68] : memref<10000xi32, #tpu.memory_space<vmem>> -> memref<40xi32, #tpu.memory_space<vmem>>
          %dma_wait3A_83 = arith.constant 0 : i32
          %dma_wait3A_84 = arith.constant 0 : i32
          %dma_wait3A_85 = tpu.memref_slice %arg12[%dma_wait3A_83, %dma_wait3A_84] : memref<10112x128xf32, #tpu.memory_space<vmem_shared>> -> memref<10112x128xf32, #tpu.memory_space<vmem_shared>>
          tpu.wait_indirect_dma semaphore(%run_scoped3A_69 : memref<!tpu.dma_semaphore, #tpu.memory_space<semaphore_mem>>) src(%dma_wait3A_81 : memref<40x128xf32, #tpu.memory_space<vmem>>) dst(%dma_wait3A_85 : memref<10112x128xf32, #tpu.memory_space<vmem_shared>>)
          tpu.yield
        }) : () -> ()
      } else {
      }
    }
    %scan3A_31 = arith.constant 250 : i32
    %barrier3A_32 = arith.constant 0 : index
    tpu.barrier barrier_id(%barrier3A_32)
    "tpu.region"() ({
      %run_scoped3A = tpu.sem_alloc : memref<!tpu.dma_semaphore, #tpu.memory_space<semaphore_mem>>
      %dma_start3A_33 = arith.constant 0 : i32
      %dma_start3A_34 = tpu.memref_slice %arg6[%arg0, %mul3A_2, %dma_start3A_33] : memref<2x10112x128xf32, #tpu.memory_space<hbm>> -> memref<1x632x128xf32, #tpu.memory_space<hbm>>
      %dma_start3A_35 = tpu.memref_squeeze %dma_start3A_34 : memref<1x632x128xf32, #tpu.memory_space<hbm>> -> memref<632x128xf32, #tpu.memory_space<hbm>>
      %dma_start3A_36 = arith.constant 0 : i32
      %dma_start3A_37 = tpu.memref_slice %arg12[%mul3A_2, %dma_start3A_36] : memref<10112x128xf32, #tpu.memory_space<vmem_shared>> -> memref<632x128xf32, #tpu.memory_space<vmem_shared>>
      tpu.enqueue_dma source(%dma_start3A_37 : memref<632x128xf32, #tpu.memory_space<vmem_shared>>) target(%dma_start3A_35 : memref<632x128xf32, #tpu.memory_space<hbm>>) target_semaphore(%run_scoped3A : memref<!tpu.dma_semaphore, #tpu.memory_space<semaphore_mem>>)
      %dma_wait3A = arith.constant 0 : i32
      %dma_wait3A_38 = tpu.memref_slice %arg6[%arg0, %mul3A_2, %dma_wait3A] : memref<2x10112x128xf32, #tpu.memory_space<hbm>> -> memref<1x632x128xf32, #tpu.memory_space<hbm>>
      %dma_wait3A_39 = tpu.memref_squeeze %dma_wait3A_38 : memref<1x632x128xf32, #tpu.memory_space<hbm>> -> memref<632x128xf32, #tpu.memory_space<hbm>>
      %dma_wait3A_40 = arith.constant 0 : i32
      %dma_wait3A_41 = tpu.memref_slice %arg12[%mul3A_2, %dma_wait3A_40] : memref<10112x128xf32, #tpu.memory_space<vmem_shared>> -> memref<632x128xf32, #tpu.memory_space<vmem_shared>>
      tpu.wait_dma2 semaphore(%run_scoped3A : memref<!tpu.dma_semaphore, #tpu.memory_space<semaphore_mem>>) src(%dma_wait3A_41 : memref<632x128xf32, #tpu.memory_space<vmem_shared>>) dst(%dma_wait3A_39 : memref<632x128xf32, #tpu.memory_space<hbm>>)
      tpu.yield
    }) : () -> ()
    "tpu.region"() ({
      %run_scoped3A = tpu.sem_alloc : memref<!tpu.dma_semaphore, #tpu.memory_space<semaphore_mem>>
      %dma_start3A_33 = arith.constant 0 : i32
      %dma_start3A_34 = tpu.memref_slice %arg7[%add3A, %dma_start3A_33] : memref<32x10112xf32, #tpu.memory_space<hbm>> -> memref<1x10112xf32, #tpu.memory_space<hbm>>
      %dma_start3A_35 = tpu.memref_squeeze %dma_start3A_34 : memref<1x10112xf32, #tpu.memory_space<hbm>> -> memref<10112xf32, #tpu.memory_space<hbm>>
      %dma_start3A_36 = arith.constant 0 : i32
      %dma_start3A_37 = tpu.memref_slice %arg7[%add3A, %dma_start3A_36] : memref<32x10112xf32, #tpu.memory_space<hbm>> -> memref<1x10112xf32, #tpu.memory_space<hbm>>
      %dma_start3A_38 = tpu.memref_squeeze %dma_start3A_37 : memref<1x10112xf32, #tpu.memory_space<hbm>> -> memref<10112xf32, #tpu.memory_space<hbm>>
      tpu.enqueue_dma source(%arg11 : memref<10112xf32, #tpu.memory_space<vmem>>) target(%dma_start3A_38 : memref<10112xf32, #tpu.memory_space<hbm>>) target_semaphore(%run_scoped3A : memref<!tpu.dma_semaphore, #tpu.memory_space<semaphore_mem>>)
      %dma_wait3A = arith.constant 0 : i32
      %dma_wait3A_39 = tpu.memref_slice %arg7[%add3A, %dma_wait3A] : memref<32x10112xf32, #tpu.memory_space<hbm>> -> memref<1x10112xf32, #tpu.memory_space<hbm>>
      %dma_wait3A_40 = tpu.memref_squeeze %dma_wait3A_39 : memref<1x10112xf32, #tpu.memory_space<hbm>> -> memref<10112xf32, #tpu.memory_space<hbm>>
      %dma_wait3A_41 = arith.constant 0 : i32
      %dma_wait3A_42 = tpu.memref_slice %arg7[%add3A, %dma_wait3A_41] : memref<32x10112xf32, #tpu.memory_space<hbm>> -> memref<1x10112xf32, #tpu.memory_space<hbm>>
      %dma_wait3A_43 = tpu.memref_squeeze %dma_wait3A_42 : memref<1x10112xf32, #tpu.memory_space<hbm>> -> memref<10112xf32, #tpu.memory_space<hbm>>
      tpu.wait_dma2 semaphore(%run_scoped3A : memref<!tpu.dma_semaphore, #tpu.memory_space<semaphore_mem>>) src(%arg11 : memref<10112xf32, #tpu.memory_space<vmem>>) dst(%dma_wait3A_43 : memref<10112xf32, #tpu.memory_space<hbm>>)
      tpu.yield
    }) : () -> ()
    return
  }
}

module attributes {stable_mosaic.version = 14 : i64} {
  func.func @_combine_body(%arg0: memref<2x10112x128xf32, #tpu.memory_space<vmem>>, %arg1: memref<32x10112xf32, #tpu.memory_space<vmem>>, %arg2: memref<10112x128xf32, #tpu.memory_space<vmem>>) attributes {dimension_semantics = [], scalar_prefetch = 0 : i64, scratch_operands = 0 : i64, tpu.core_type = #tpu.core_type<tc>} {
    %get3A = arith.constant 0 : index
    %get3A_0 = arith.constant 0 : index
    %get3A_1 = arith.constant 0 : index
    %get3A_2 = vector.load %arg0[%get3A, %get3A_0, %get3A_1] : memref<2x10112x128xf32, #tpu.memory_space<vmem>>, vector<1x10112x128xf32>
    %get3A_3 = vector.shape_cast %get3A_2 : vector<1x10112x128xf32> to vector<10112x128xf32>
    %get3A_4 = arith.constant 1 : index
    %get3A_5 = arith.constant 0 : index
    %get3A_6 = arith.constant 0 : index
    %get3A_7 = vector.load %arg0[%get3A_4, %get3A_5, %get3A_6] : memref<2x10112x128xf32, #tpu.memory_space<vmem>>, vector<1x10112x128xf32>
    %get3A_8 = vector.shape_cast %get3A_7 : vector<1x10112x128xf32> to vector<10112x128xf32>
    %add3A = arith.addf %get3A_3, %get3A_8 : vector<10112x128xf32>
    %get3A_9 = arith.constant 0 : index
    %get3A_10 = arith.constant 0 : index
    %get3A_11 = vector.load %arg1[%get3A_9, %get3A_10] : memref<32x10112xf32, #tpu.memory_space<vmem>>, vector<32x10112xf32>
    %reduce_sum3A = arith.constant dense<0.000000e+00> : vector<10112xf32>
    %reduce_sum3A_12 = vector.multi_reduction <add>, %get3A_11, %reduce_sum3A [0] : vector<32x10112xf32> to vector<10112xf32>
    %max3A = arith.constant 1.000000e+00 : f32
    %max3A_13 = vector.broadcast %max3A : f32 to vector<10112xf32>
    %max3A_14 = arith.maximumf %reduce_sum3A_12, %max3A_13 : vector<10112xf32>
    %div3A = arith.constant 1.000000e+00 : f32
    %div3A_15 = vector.broadcast %div3A : f32 to vector<10112xf32>
    %div3A_16 = arith.divf %div3A_15, %max3A_14 : vector<10112xf32>
    %broadcast_in_dim3A = vector.shape_cast %div3A_16 : vector<10112xf32> to vector<10112x1xf32>
    %mul3A = vector.broadcast %broadcast_in_dim3A : vector<10112x1xf32> to vector<10112x128xf32>
    %mul3A_17 = arith.mulf %add3A, %mul3A : vector<10112x128xf32>
    %swap3A = arith.constant 0 : index
    %swap3A_18 = arith.constant 0 : index
    %swap3A_19 = vector.load %arg2[%swap3A, %swap3A_18] : memref<10112x128xf32, #tpu.memory_space<vmem>>, vector<10112x128xf32>
    tpu.vector_store %arg2[%swap3A, %swap3A_18], %mul3A_17 {strides = array<i32>} : memref<10112x128xf32, #tpu.memory_space<vmem>>, vector<10112x128xf32>,
    return
  }
}

</mosaic_0001>

<sc_bundles>
// kernel: kernel.4.cloned.1.call-start
scs
__scs_entry_jumppad:
0x0: {  	(pc) =	sbr.rel $0x88, $3  }
0x1: {  	(tag) =	ssettag $0x0;
	lr =	simm.s32 $0x1  }
0x2: {  	[smem:$0x3F9F] =	sst lr;
	_ =	strace $0xD0000000  }
0x3: {  	_ = 	snop  }
0x4: {  	_ = 	snop  }
0x5: {  	_ = 	snop  }
0x6: {  	_ = 	snop  }
0x7: {  	_ = 	snop  }
__scs_overlays_trampoline_lowered:
0x8: {  	[smem:$0x3FAE] =	sst s0  }
0x9: {  	[smem:$0x3FAF] =	sst s1  }
0xa: {  	[smem:$0x3FB0] =	sst s2  }
0xb: {  	[smem:$0x3FB1] =	sst s3  }
0xc: {  	[smem:$0x3FB2] =	sst s4  }
0xd: {  	[smem:$0x3FB3] =	sst s5  }
0xe: {  	[smem:$0x3FB4] =	sst s6  }
0xf: {  	[smem:$0x3FB5] =	sst s7  }
0x10: {  	[smem:$0x3FB6] =	sst s8  }
0x11: {  	[smem:$0x3FB7] =	sst s9;
	s0 =	simm.s32 @!p0 $0x0  }
0x12: {  	s1 =	sld [smem:$0x3F9D];
	s0 =	simm.s32 @p0 $0x1  }
0x13: {  	[smem:$0x3FB8] =	sst s0;
	s0 =	simm.s32 @!p1 $0x0  }
0x14: {  	s2 =	sld [smem:$0x3F9C];
	s0 =	simm.s32 @p1 $0x1  }
0x15: {  	[smem:$0x3FB9] =	sst s0;
	s0 =	simm.s32 @!p2 $0x0  }
0x16: {  	s3 =	sld [smem:$0x3FDB];
	s0 =	simm.s32 @p2 $0x1  }
0x17: {  	s4 =	simm.s32 $0x1BF5;
	[smem:$0x3FBB] =	sst s0  }
0x18: {  	s0 =	sld [smem:$0x3F9E];
	_ =	swait.ge [sflag:s4], $0x0  }
0x19: {  	s7 =	sld [smem:$0x3F9F]  }
0x1a: {  	s8 =	sadd.s32 $0xFFFFE003, lr  }
0x1b: {  	s9 =	sadd.s32 $0xFFFFFEF7, lr;
	s5 =	simm.s32 $0xFFFFFFFF;
	p2 =	slt.u32 s8, $0xFFFFF086  }
0x1c: {  	p1 =	slt.u32 s9, $0xF7A;
	s5 =	simm.s32 @!p2 $0x0  }
0x1d: {  	s5 =	simm.s32 @p1 $0x1;
	p0 =	seq.s32 s7, s2  }
0x1e: {  	s7 =	smul.u32 @!p0 $0xF7A, s2;
	p2 =	seq.s32 @!p0 s5, $0x0  }
0x1f: {  	s9 =	smul.u32 $0xF7A, s1;
	s8 =	simm.s32 @!p0 $0x1BF5;
	p2 =	por !p2, p0  }
0x20: {  	[sflag:s8] =	ssyncset.s32 @!p0 $0xFFFFF086;
	s6 =	sadd.s32 @!p0 s3, s7;
	s7 =	simm.s32 @!p0 $0x108  }
0x21: {  	s3 =	sadd.s32 s3, s9;
	s6 =	sadd.s32 @!p0 $0x88, s6;
	s7 =	simm.s32 @p2 $0x1082  }
0x22: {  	[simem:s7], [sflag:s8] =	dma.local @!p0 [hbm:s6], $0xF7A  }
0x23: {  	s9 =	sor.u32 $0xD0000000, s2;
	s6 =	simm.s32 $0x108;
	_ =	swait.ge @!p0 [sflag:s8], $0x0  }
0x24: {  	s3 =	sadd.s32 $0x88, s3;
	s6 =	simm.s32 @!p1 $0x1082;
	[sflag:s4] =	ssyncset.s32 $0xFFFFF086  }
0x25: {  	[simem:s6], [sflag:s4] =	dma.local [hbm:s3], $0xF7A  }
0x26: {  	[smem:$0x3F9F] =	sst s1;
	(tag) =	ssettag s2;
	_ =	strace s9  }
0x27: {  	s1 =	sld [smem:$0x3FAF]  }
0x28: {  	s2 =	sld [smem:$0x3FB0]  }
0x29: {  	s4 =	sld [smem:$0x3FB2]  }
0x2a: {  	p0 =	seq.s32 s5, $0x0;
	s5 =	sld [smem:$0x3FB3]  }
0x2b: {  	s6 =	sld [smem:$0x3FB4]  }
0x2c: {  	s7 =	sld [smem:$0x3FB5]  }
0x2d: {  	s3 =	simm.s32 $0x108;
	s8 =	sld [smem:$0x3FB6]  }
0x2e: {  	s3 =	simm.s32 @!p0 $0x1082;
	s9 =	sld [smem:$0x3FB7]  }
0x2f: {  	lr =	sadd.s32 s0, s3;
	s0 =	sld [smem:$0x3FAE]  }
0x30: {  	s3 =	sld [smem:$0x3FB1]  }
0x31: {  	[smem:$0x3FBA] =	sst s10  }
0x32: {  	s10 =	sld [smem:$0x3FB8];
	_ =	sdelay $0x3  }
0x33: {  	p0 =	seq.s32 s10, $0x1;
	s10 =	sld [smem:$0x3FBA];
	_ =	sdelay $0x3  }
0x34: {  	[smem:$0x3FBA] =	sst s10  }
0x35: {  	s10 =	sld [smem:$0x3FB9];
	_ =	sdelay $0x3  }
0x36: {  	p1 =	seq.s32 s10, $0x1;
	s10 =	sld [smem:$0x3FBA];
	_ =	sdelay $0x3  }
0x37: {  	[smem:$0x3FBA] =	sst s10  }
0x38: {  	s10 =	sld [smem:$0x3FBB]  }
0x39: {  	_ = 	snop;
	(pc) =	sbr.ind lr, $3  }
0x3a: {  	_ = 	snop  }
0x3b: {  	_ = 	snop  }
0x3c: {  	p2 =	seq.s32 s10, $0x1;
	s10 =	sld [smem:$0x3FBA]  }
0x3d: {  	_ =	shalt  }
0x3e: {  	_ =	shalt  }
0x3f: {  	_ =	shalt  }
0x40: {  	_ =	shalt  }
0x41: {  	_ =	shalt  }
0x42: {  	_ =	shalt  }
0x43: {  	_ =	shalt  }
0x44: {  	_ =	shalt  }
0x45: {  	_ =	shalt  }
0x46: {  	_ =	shalt  }
0x47: {  	_ =	shalt  }
0x48: {  	_ =	shalt  }
0x49: {  	_ =	shalt  }
0x4a: {  	_ =	shalt  }
0x4b: {  	_ =	shalt  }
0x4c: {  	_ =	shalt  }
0x4d: {  	_ =	shalt  }
0x4e: {  	_ =	shalt  }
0x4f: {  	_ =	shalt  }
0x50: {  	_ =	shalt  }
0x51: {  	_ =	shalt  }
0x52: {  	_ =	shalt  }
0x53: {  	_ =	shalt  }
0x54: {  	_ =	shalt  }
0x55: {  	_ =	shalt  }
0x56: {  	_ =	shalt  }
0x57: {  	_ =	shalt  }
0x58: {  	_ =	shalt  }
0x59: {  	_ =	shalt  }
0x5a: {  	_ =	shalt  }
0x5b: {  	_ =	shalt  }
0x5c: {  	_ =	shalt  }
0x5d: {  	_ =	shalt  }
0x5e: {  	_ =	shalt  }
0x5f: {  	_ =	shalt  }
0x60: {  	_ =	shalt  }
0x61: {  	_ =	shalt  }
0x62: {  	_ =	shalt  }
0x63: {  	_ =	shalt  }
0x64: {  	_ =	shalt  }
0x65: {  	_ =	shalt  }
0x66: {  	_ =	shalt  }
0x67: {  	_ =	shalt  }
0x68: {  	_ =	shalt  }
0x69: {  	_ =	shalt  }
0x6a: {  	_ =	shalt  }
0x6b: {  	_ =	shalt  }
0x6c: {  	_ =	shalt  }
0x6d: {  	_ =	shalt  }
0x6e: {  	_ =	shalt  }
0x6f: {  	_ =	shalt  }
0x70: {  	_ =	shalt  }
0x71: {  	_ =	shalt  }
0x72: {  	_ =	shalt  }
0x73: {  	_ =	shalt  }
0x74: {  	_ =	shalt  }
0x75: {  	_ =	shalt  }
0x76: {  	_ =	shalt  }
0x77: {  	_ =	shalt  }
0x78: {  	_ =	shalt  }
0x79: {  	_ =	shalt  }
0x7a: {  	_ =	shalt  }
0x7b: {  	_ =	shalt  }
0x7c: {  	_ =	shalt  }
0x7d: {  	_ =	shalt  }
0x7e: {  	_ =	shalt  }
0x7f: {  	_ =	shalt  }
0x80: {  	_ =	shalt  }
0x81: {  	_ =	shalt  }
0x82: {  	_ =	shalt  }
0x83: {  	_ =	shalt  }
0x84: {  	_ =	shalt  }
0x85: {  	_ =	shalt  }
0x86: {  	_ =	shalt  }
0x87: {  	_ =	shalt  }
.Lfunc_end0:
.L_simem_size_0:
called_computation_lowered:
.L_overlay_start_0:
0x88: {  	s2 =	sld [smem:$0x3FD9]  }
0x89: {  	s3 =	sld [smem:$0x3FFE];
	_ =	sdelay $0x1  }
0x8a: {  	s1 =	srdreg.scid  }
0x8b: {  	s0 =	sand.u32 $0x1, s1  }
0x8c: {  	s17 =	sshll.u32 s0, $0xA;
	s2 =	sadd.s32 s3, s2  }
0x8d: {  	s2 =	sadd.s32 s2, s17  }
0x8e: {  	[smem:$0x3FC6] =	sst s2  }
0x8f: {  	_ = 	snop  }
0x90: {  	s2 =	sld [smem:$0x3FC9]  }
0x91: {  	s18 =	sld [smem:$0x3FD0];
	(tm) =	ssettm $0x1  }
0x92: {  	s4 =	sld [smem:$0x3FFB];
	_ =	sdelay $0x3  }
0x93: {  	_ =	strace s4  }
0x94: {  	s4 =	sld [smem:$0x3FFC];
	_ =	sdelay $0x3  }
0x95: {  	_ =	strace s4  }
0x96: {  	s4 =	sld [smem:$0x3FFD];
	_ =	sdelay $0x3  }
0x97: {  	_ =	strace s4  }
0x98: {  	_ =	strace $0x8FFFFFFF  }
0x99: {  	s19 =	sld [smem:$0x3FDB];
	_ =	sdelay $0x1  }
0x9a: {  	s5 =	simm.s32 $_scs_section_size  }
0x9b: {  	s6 =	simm.s32 $_size__tile_overlayer_lowered;
	s7 =	simm.s32 $_tile_overlayer_lowered  }
0x9c: {  	s22 =	simm.s32 $0x1BFF;
	s21 =	sshll.u32 s7, $0x1;
	s4 =	sadd.s32 s5, s19  }
0x9d: {  	s8 =	simm.s32 $0x0;
	s20 =	sshll.u32 s6, $0x1;
	s6 =	sadd.s32 s21, s4  }
0x9e: {  	[timem:s8], [sflag:s22] =	dma.local [hbm:s6], s20  }
0x9f: {  	_ =	swait.ge [sflag:s22], s20  }
0xa0: {  	s5 =	ssub.s32 $0x0, s20;
	[sflag:s22] =	ssyncset.done $0x0  }
0xa1: {  	[sflag:s22] =	ssyncadd.s32 s5;
	_ =	sdelay $0x1  }
0xa2: {  	s23 =	simm.s32 $0x1B8B  }
0xa3: {  	_ =	swait.ge [sflag:s23], $0x1  }
0xa4: {  	[sflag:s23] =	ssyncset.done $0x0  }
0xa5: {  	s25 =	simm.s32 $0x1B8E;
	s24 =	sld [smem:$0x3FFE];
	[sflag:s23] =	ssyncadd.s32 $0xFFFFFFFF  }
0xa6: {  	s26 =	simm.s32 $execute0_lowered;
	[smem:$0x3FD2] =	sst s25  }
0xa7: {  	s6 =	sshll.u32 s26, $0x1;
	_ =	strace $0x80000046;
	[dreg:$0x1] =	wrdreg $0xFFFFFFFF  }
0xa8: {  	s28 =	simm.s32 $_size_execute0_lowered;
	s4 =	sadd.s32 s4, s6;
	[dreg:$0x0] =	wrdreg $0x0  }
0xa9: {  	s6 =	sshll.u32 s28, $0x1;
	[dreg:$0x2] =	wrdreg s4  }
0xaa: {  	[dreg:$0x3] =	wrdreg s6  }
0xab: {  	[dreg:$0x4] =	wrdreg $0xC0  }
0xac: {  	_ =	task [dreg:s8], $0x5FFFF  }
0xad: {  	[dreg:$0x1] =	wrdreg $0xFFFFFFFF  }
0xae: {  	[dreg:$0x0] =	wrdreg $0x60  }
0xaf: {  	[dreg:$0x2] =	wrdreg s18  }
0xb0: {  	[dreg:$0x3] =	wrdreg s24  }
0xb1: {  	[dreg:$0x4] =	wrdreg s2  }
0xb2: {  	[dreg:$0x5] =	wrdreg $0x9E800  }
0xb3: {  	[dreg:$0x6] =	wrdreg $0x9  }
0xb4: {  	_ =	task.clear_ibuf [dreg:s8], $0x7FFFF;
	_ =	strace $0x90000046  }
0xb5: {  	s29 =	simm.s32 $0x9;
	_ =	strace $0x80000048  }
0xb6: {  	_ =	swait.ge [sflag:s29], $0x1  }
0xb7: {  	[sflag:s29] =	ssyncadd.s32 $0xFFFFFFFF  }
0xb8: {  	_ =	strace $0x90000048  }
0xb9: {  	_ =	sfence  }
0xba: {  	s30 =	sld [smem:$0x0];
	_ =	sdelay $0x2  }
0xbb: {  	s31 =	sshll.u32 s1, $0xD;
	s1 =	sshrl.u32 s1, $0x2  }
0xbc: {  	s3 =	sand.u32 $0x4000, s31;
	s1 =	sadd.s32 s1, s30  }
0xbd: {  	s0 =	sor.u32 s3, s0;
	s1 =	sshll.u32 s1, $0x11  }
0xbe: {  	s0 =	sor.u32 s1, s0  }
0xbf: {  	s0 =	sadd.s32 $0x8F2B, s0  }
0xc0: {  	[sflag:s0] =	ssyncadd.remote.s32 $0x1  }
0xc1: {  	_ =	sfence.sel $0xFFFF  }
0xc2: {  	[dreg:$0x0] =	wrdreg $0xFFFFFFFF;
	(pc) =	sbr.abs _section_cstart, $3  }
0xc3: {  	[dreg:$0x1] =	wrdreg $0xFFFFFFFF  }
0xc4: {  	_ =	task.clear_ibuf [dreg:s8], $0x2FFFF;
	_ =	strace $0x9FFFFFFF  }
0xc5: {  	(tm) =	ssettm $0x7FFFFFFF  }
tec
execute0_lowered:
.L_overlay_start_1:
0x0: {  	(tag) =	ssettag $0x1  }
0x1: {  	s7 =	rddreg [dreg:$0x0]  }
0x2: {  	s6 =	rddreg [dreg:$0x1]  }
0x3: {  	s1 =	rddreg [dreg:$0x2]  }
0x4: {  	s2 =	rddreg [dreg:$0x3];
	s3 =	simm.s32 $0x0  }
0x5: {  	s4 =	srdreg.scid;
	s15 =	simm.s32 $0x400;
	s16 =	simm.s32 $0x2780  }
0x6: {  	s17 =	simm.s32 $0x7700;
	s18 =	simm.s32 $0x4F00;
	s19 =	simm.s32 $0x2  }
0x7: {  	s20 =	simm.s32 $0x28;
	s21 =	simm.s32 $0x4E68;
	s22 =	simm.s32 $0x6300  }
0x8: {  	s23 =	simm.s32 $0x0;
	[smem:$0x7FF] =	sst s3;
	s8 =	sand.u32 $0x1, s4  }
0x9: {  	s4 =	stileid.u32;
	_ =	strace $0x80000047;
	s9 =	smul.u32 $0x13C000, s8  }
0xa: {  	s10 =	smul.u32 $0x13C00, s4;
	s5 =	sshrl.u32 s4, $0x2;
	s11 =	sshll.u32 s4, $0x8  }
0xb: {  	s13 =	sshll.u32 s8, $0x7;
	s26 =	smul.u32 $0x4F000, s4;
	s8 =	ssub.s32 $0x2, s8  }
0xc: {  	s31 =	sshll.u32 s4, $0x6;
	s12 =	smul.u32 $0x13C00, s5;
	s11 =	sand.u32 $0x300, s11  }
0xd: {  	s5 =	sadd.s32 $0xA200, s6;
	s29 =	sshrl.u32 s8, $0x1;
	s9 =	sadd.s32 s10, s9  }
0xe: {  	s25 =	sor.u32 s13, s11;
	s11 =	sshrl.u32 s26, $0x2;
	s30 =	ssub.s32 s8, s29  }
0xf: {  	s13 =	simm.s32 $0x3;
	s9 =	sshrl.u32 s9, $0x3;
	s10 =	sor.u32 s12, s25  }
0x10: {  	s14 =	sadd.s32 s11, s2;
	s11 =	smax.u32 s30, $0x1;
	s9 =	sadd.s32 s9, s6  }
0x11: {  	s10 =	sshrl.u32 s10, $0x3;
	s12 =	sshrl.u32 s14, $0x3;
	s14 =	simm.s32 $0x80  }
0x12: {  	s28 =	sadd.s32 s10, s6;
	s6 =	sor.u32 $0x1C03, s31;
	s7 =	sadd.s32 s7, s10  }
0x13: {  	v0 =	vimm.f32 $0.0e+00;
	v1 =	vimm.f32 $1.000000000e+00;
	s9 =	sadd.s32 $0xCA00, s9;
	s8 =	sadd.s32 $0x400, s28;
	s10 =	sadd.s32 $0x5BA00, s28  }
.LBB2_1:
0x14: {  	[spmem:s12], [sflag:s6] =	dma.local [hbm:s5], $0x2780  }
0x15: {  	_ =	swait.ge [sflag:s13], $0x2780  }
0x16: {  	[sflag:s13] =	ssyncset.done $0x0  }
0x17: {  	[sflag:s13] =	ssyncadd.s32 $0xFFFFD880  }
0x18: {  	[tilespmem:s3], [sflag:$0x3] =	stream.strided.gather [hbm4b:s7+s14], $0x2780, s15, s14, $0x38;
	[tilespmem:$0x1DA80] =	vst v63  }
0x19: {  	_ =	swait.ge [sflag:s13], $0x2780  }
0x1a: {  	[sflag:s13] =	ssyncset.done $0x0  }
0x1b: {  	[sflag:s13] =	ssyncadd.s32 $0xFFFFD880  }
0x1c: {  	[tilespmem:s16], [sflag:$0x3] =	stream.strided.gather [hbm4b:s8+s14], $0x2780, s15, s14, $0x38;
	[tilespmem:$0x1DA80] =	vst v63  }
0x1d: {  	_ =	swait.ge [sflag:s13], $0x2780  }
0x1e: {  	[sflag:s13] =	ssyncset.done $0x0  }
0x1f: {  	s24 =	simm.s32 $0x0;
	[sflag:s13] =	ssyncadd.s32 $0xFFFFD880  }
.LBB2_2:
0x20: {  	p0 =	sne.s32 s24, $0x9DC0  }
.Ltmp0:
0x21: {  	_ = 	snop;
	(pc) =	sbr.rel @p0 .LBB2_2-.Ltmp0, $3  }
0x22: {  	_ =	sdelay $0x1  }
0x23: {  	s25 =	sshra.s32 s24, $0x2  }
0x24: {  	s24 =	sadd.s32 $0x40, s24;
	[tilespmem:s25+$0x7700] =	vst v0  }
0x25: {  	s25 =	simm.s32 $0x0;
	s24 =	simm.s32 $0x40  }
.LBB2_4:
0x26: {  	p0 =	sne.s32 s24, $0x9C00;
	v2 =	vld [tilespmem:s25+$0x2780];
	_ =	sdelay $0x3  }
.Ltmp1:
0x27: {  	(pc) =	sbr.rel @p0 .LBB2_4-.Ltmp1, $2  }
0x28: {  	_ =	sdelay $0x2  }
0x29: {  	s25 =	sshra.s32 s24, $0x2;
	s24 =	sadd.s32 $0x40, s24;
	[tilespmem:v2+s17+$0x0] =	vst.idx.add.f32.msk $0xffff, v1  }
0x2a: {  	v2 =	vld [tilespmem:s25+$0x2780];
	_ =	sdelay $0x5  }
0x2b: {  	s31 =	simm.s32 $0x0  }
0x2c: {  	s25 =	sand.u32 $0x1, s31  }
0x2d: {  	p0 =	seq.s32 s25, $0x1;
	[tilespmem:v2+s17+$0x0] =	vst.idx.add.f32.msk $0xffff, v1  }
0x2e: {  	s24 =	simm.s32 $0x28;
	s25 =	simm.s32 @p0 $0x2;
	[bflag:$0x0] =	sbarrier.arrive $0xFFFF  }
0x2f: {  	[tilespmem:s18], [sflag:$0x1] =	stream.indirect.gather [hbm4b:s1+s24], $0x80, s31, s24, $0xb8;
	[tilespmem:$0x1DA80] =	vst v63  }
0x30: {  	_ =	swait.ge @p0 [sflag:s25], $0x1400  }
0x31: {  	[sflag:s25] =	ssyncset.done @p0 $0x0  }
0x32: {  	s26 =	simm.s32 @p0 $0x4F00;
	[sflag:s25] =	ssyncadd.s32 @p0 $0xFFFFEC00;
	s25 =	simm.s32 @p0 $0x28  }
0x33: {  	[tilespmem:s26], [sflag:$0x1] =	stream.indirect.gather @p0 [hbm4b:s1+s25], $0x80, s24, s25, $0xb8;
	[tilespmem:$0x1DA80] =	vst v63  }
0x34: {  	s28 =	simm.s32 $0x2780;
	s29 =	simm.s32 @!p0 $0x1;
	s26 =	simm.s32 @p0 $0x6300  }
0x35: {  	[spmem:s2] =	stream.indirect.scatter.add.f32 @p0 [tilespmem:s26], [sflag:$0x3], $0x80, s28, s25, $0xb8;
	[tilespmem:$0x1DA80] =	vst v63  }
0x36: {  	_ =	swait.ge @!p0 [sflag:s29], $0x1400  }
0x37: {  	s26 =	simm.s32 @!p0 $0x4;
	[sflag:s29] =	ssyncset.done @!p0 $0x0  }
0x38: {  	s25 =	simm.s32 @!p0 $0x28;
	[sflag:s29] =	ssyncadd.s32 @!p0 $0xFFFFEC00;
	s29 =	simm.s32 @!p0 $0x6300  }
0x39: {  	[tilespmem:s29], [sflag:$0x2] =	stream.indirect.gather @!p0 [hbm4b:s1+s25], $0x80, s24, s25, $0xb8;
	[tilespmem:$0x1DA80] =	vst v63  }
0x3a: {  	s26 =	simm.s32 @p0 $0x3;
	s29 =	simm.s32 $0x1;
	s24 =	simm.s32 @!p0 $0x4F00  }
0x3b: {  	[spmem:s2] =	stream.indirect.scatter.add.f32 @!p0 [tilespmem:s24], [sflag:$0x4], $0x80, s28, s25, $0xb8;
	[tilespmem:$0x1DA80] =	vst v63  }
0x3c: {  	s29 =	sand.u32 $0x1, s29;
	s28 =	simm.s32 $0x2;
	_ =	swait.ge [sflag:s26], $0x1400  }
0x3d: {  	s24 =	simm.s32 $0x50;
	s25 =	simm.s32 $0x27A8;
	[sflag:s26] =	ssyncset.done $0x0  }
.LBB2_6:
0x3e: {  	p1 =	seq.s32 s29, $0x1  }
0x3f: {  	[sflag:s26] =	ssyncadd.s32 $0xFFFFEC00;
	s29 =	smov.u32 s28;
	s28 =	sadd.s32 $0x1, s28  }
0x40: {  	p0 =	sne.s32 s28, $0xF9;
	s30 =	simm.s32 @p1 $0x2;
	s26 =	simm.s32 @!p1 $0x4  }
0x41: {  	_ =	swait.ge @p1 [sflag:s30], $0x1400  }
0x42: {  	[sflag:s30] =	ssyncset.done @p1 $0x0  }
0x43: {  	s31 =	simm.s32 @p1 $0x4F00;
	[sflag:s30] =	ssyncadd.s32 @p1 $0xFFFFEC00;
	s30 =	simm.s32 @p1 $0x28  }
0x44: {  	[tilespmem:s31], [sflag:$0x1] =	stream.indirect.gather @p1 [hbm4b:s1+s30], $0x80, s24, s30, $0xb8;
	[tilespmem:$0x1DA80] =	vst v63  }
0x45: {  	s0 =	simm.s32 @!p1 $0x1;
	s31 =	simm.s32 @p1 $0x6300  }
0x46: {  	[spmem:s2] =	stream.indirect.scatter.add.f32 @p1 [tilespmem:s31], [sflag:$0x3], $0x80, s25, s30, $0xb8;
	[tilespmem:$0x1DA80] =	vst v63  }
0x47: {  	_ =	swait.ge @!p1 [sflag:s0], $0x1400  }
0x48: {  	[sflag:s0] =	ssyncset.done @!p1 $0x0  }
0x49: {  	s30 =	simm.s32 @!p1 $0x6300;
	[sflag:s0] =	ssyncadd.s32 @!p1 $0xFFFFEC00;
	s0 =	simm.s32 @!p1 $0x28  }
0x4a: {  	[tilespmem:s30], [sflag:$0x2] =	stream.indirect.gather @!p1 [hbm4b:s1+s0], $0x80, s24, s0, $0xb8;
	[tilespmem:$0x1DA80] =	vst v63  }
.Ltmp2:
0x4b: {  	_ = 	snop;
	(pc) =	sbr.rel @p0 .LBB2_6-.Ltmp2, $4  }
0x4c: {  	s26 =	simm.s32 @p1 $0x3;
	s30 =	simm.s32 @!p1 $0x4F00  }
0x4d: {  	[spmem:s2] =	stream.indirect.scatter.add.f32 @!p1 [tilespmem:s30], [sflag:$0x4], $0x80, s25, s0, $0xb8;
	[tilespmem:$0x1DA80] =	vst v63  }
0x4e: {  	s24 =	sadd.s32 $0x28, s24;
	_ =	swait.ge [sflag:s26], $0x1400  }
0x4f: {  	s29 =	sand.u32 $0x1, s29;
	s25 =	sadd.s32 $0x28, s25;
	[sflag:s26] =	ssyncset.done $0x0  }
0x50: {  	p0 =	seq.s32 s29, $0x1  }
0x51: {  	[sflag:s26] =	ssyncadd.s32 $0xFFFFEC00;
	s0 =	simm.s32 @p0 $0x2  }
0x52: {  	_ =	swait.ge @p0 [sflag:s0], $0x1400  }
0x53: {  	[sflag:s0] =	ssyncset.done @p0 $0x0  }
0x54: {  	s26 =	simm.s32 @p0 $0x4F00;
	[sflag:s0] =	ssyncadd.s32 @p0 $0xFFFFEC00;
	s0 =	simm.s32 @p0 $0x28  }
0x55: {  	[tilespmem:s26], [sflag:$0x1] =	stream.indirect.gather @p0 [hbm4b:s1+s0], $0x80, s24, s0, $0xb8;
	[tilespmem:$0x1DA80] =	vst v63  }
0x56: {  	s28 =	simm.s32 @!p0 $0x1;
	s26 =	simm.s32 @p0 $0x6300  }
0x57: {  	[spmem:s2] =	stream.indirect.scatter.add.f32 @p0 [tilespmem:s26], [sflag:$0x3], $0x80, s25, s0, $0xb8;
	[tilespmem:$0x1DA80] =	vst v63  }
0x58: {  	_ =	swait.ge @!p0 [sflag:s28], $0x1400  }
0x59: {  	s0 =	simm.s32 @!p0 $0x4;
	[sflag:s28] =	ssyncset.done @!p0 $0x0  }
0x5a: {  	s26 =	simm.s32 @!p0 $0x28;
	[sflag:s28] =	ssyncadd.s32 @!p0 $0xFFFFEC00;
	s28 =	simm.s32 @!p0 $0x6300  }
0x5b: {  	[tilespmem:s28], [sflag:$0x2] =	stream.indirect.gather @!p0 [hbm4b:s1+s26], $0x80, s24, s26, $0xb8;
	[tilespmem:$0x1DA80] =	vst v63  }
0x5c: {  	s0 =	simm.s32 @p0 $0x3;
	s24 =	simm.s32 @!p0 $0x4F00  }
0x5d: {  	[spmem:s2] =	stream.indirect.scatter.add.f32 @!p0 [tilespmem:s24], [sflag:$0x4], $0x80, s25, s26, $0xb8;
	[tilespmem:$0x1DA80] =	vst v63  }
0x5e: {  	_ =	swait.ge [sflag:s0], $0x1400  }
0x5f: {  	[sflag:s0] =	ssyncset.done $0x0  }
0x60: {  	[sflag:s0] =	ssyncadd.s32 $0xFFFFEC00  }
0x61: {  	_ =	swait.ge [sflag:s19], $0x1400  }
0x62: {  	[sflag:s19] =	ssyncset.done $0x0  }
0x63: {  	[sflag:s19] =	ssyncadd.s32 $0xFFFFEC00  }
0x64: {  	[spmem:s2] =	stream.indirect.scatter.add.f32 [tilespmem:s22], [sflag:$0x3], $0x80, s21, s20, $0xb8;
	[tilespmem:$0x1DA80] =	vst v63  }
0x65: {  	_ =	swait.ge [sflag:s13], $0x1400  }
0x66: {  	[sflag:s13] =	ssyncset.done $0x0  }
0x67: {  	[sflag:s13] =	ssyncadd.s32 $0xFFFFEC00  }
0x68: {  	[bflag:$0x0] =	sbarrier.arrive $0xFFFF  }
0x69: {  	[hbm:s9], [sflag:s6] =	dma.local [spmem:s12], $0x2780  }
0x6a: {  	s23 =	sadd.s32 $0x1, s23;
	_ =	swait.ge [sflag:s13], $0x2780  }
0x6b: {  	p0 =	sne.s32 s23, s11;
	[sflag:s13] =	ssyncset.done $0x0  }
.Ltmp3:
0x6c: {  	[sflag:s13] =	ssyncadd.s32 $0xFFFFD880;
	(pc) =	sbr.rel @p0 .LBB2_1-.Ltmp3, $4  }
0x6d: {  	[hbm4b:s10+s14] =	stream.strided.scatter [tilespmem:s17], [sflag:$0x3], $0x2780, s15, s14, $0x38;
	[tilespmem:$0x1DA80] =	vst v63  }
0x6e: {  	_ =	swait.ge [sflag:s13], $0x2780  }
0x6f: {  	[sflag:s13] =	ssyncset.done $0x0  }
0x70: {  	[sflag:s13] =	ssyncadd.s32 $0xFFFFD880  }
0x71: {  	_ =	sfence.sel $0x180000  }
0x72: {  	[bflag:$0x0] =	sbarrier.arrive $0xFFFF  }
0x73: {  	_ =	strace $0x90000047  }
0x74: {  	[bflag:$0x2] =	sbarrier.arrive $0xFFFF  }
0x75: {  	p0 =	sne.s32 s4, $0x0;
	s0 =	rddreg [dreg:$0x4]  }
0x76: {  	s0 =	sadd.s32 @!p0 $0x100000, s0  }
0x77: {  	[sflag:s0] =	ssyncadd.tile.s32 @!p0 $0x1;
	_ =	shalt  }
.Lfunc_end2:
_tile_overlayer_lowered:
.L_overlay_start_2:
0x78: {  	(tag) =	ssettag $0x2  }
0x79: {  	s0 =	rddreg [dreg:$0x0];
	s2 =	stileid.u32  }
0x7a: {  	s1 =	rddreg [dreg:$0x1];
	p0 =	sne.s32 s2, $0x0  }
0x7b: {  	s3 =	rddreg [dreg:$0x2];
	[bflag:$0x3] =	sbarrier.arrive $0xFFFF;
	s2 =	simm.s32 @!p0 $0x1C03  }
0x7c: {  	[timem:s3], [sflag:s2] =	dma.local @!p0 [hbm:s0], s1  }
0x7d: {  	s0 =	simm.s32 @!p0 $0x3  }
0x7e: {  	_ =	swait.ge @!p0 [sflag:s0], s1  }
0x7f: {  	s1 =	ssub.s32 @!p0 $0x0, s1;
	[sflag:s0] =	ssyncset.done @!p0 $0x0  }
0x80: {  	[sflag:s0] =	ssyncadd.s32 @!p0 s1  }
0x81: {  	[bflag:$0x3] =	sbarrier.arrive $0xFFFF  }
0x82: {  	_ =	shalt  }

</sc_bundles>
